<compile_context>
chip_gen: v7x
topology: tpu7x:2x2x1
jax: 0.10.2.dev20260603
libtpu: 0.0.44.dev20260713+nightly
codegen_flags: <defaults>
</compile_context>

<pallas_src>
import functools

import jax
import jax.numpy as jnp
from jax import lax
from jax.experimental import pallas as pl
from jax.experimental.pallas import tpu as pltpu
from jax.experimental.pallas import tpu_sc as plsc

N_TOKENS = 8192
D_MODEL = 4096
NUM_GROUPS = 16
BLOCK_N = 512
_HALF = BLOCK_N // 2

_SCORE_STRIDE = 128

_LANES = 16
_NUM_WORKERS = 32
_TOK_PER_WORKER = N_TOKENS // _NUM_WORKERS


def _scores_kernel(xa_ref, xb_ref, w_ref, b_ref, o_ref):
    w = w_ref[...]
    dn = (((1,), (1,)), ((), ()))
    sa = lax.dot_general(xa_ref[...], w, dn,
                         preferred_element_type=jnp.float32)
    sb = lax.dot_general(xb_ref[...], w, dn,
                         preferred_element_type=jnp.float32)
    bias = b_ref[...]
    o_ref[:_HALF, :NUM_GROUPS] = sa + bias
    o_ref[_HALF:, :NUM_GROUPS] = sb + bias


def _tc_scores(x, w2, b2):
    grid = N_TOKENS // BLOCK_N
    return pl.pallas_call(
        _scores_kernel,
        grid=(grid,),
        in_specs=[
            pl.BlockSpec((_HALF, D_MODEL), lambda i: (2 * i, 0)),
            pl.BlockSpec((_HALF, D_MODEL), lambda i: (2 * i + 1, 0)),
            pl.BlockSpec((NUM_GROUPS, D_MODEL), lambda i: (0, 0)),
            pl.BlockSpec((1, NUM_GROUPS), lambda i: (0, 0)),
        ],
        out_specs=pl.BlockSpec((BLOCK_N, _SCORE_STRIDE), lambda i: (i, 0)),
        out_shape=jax.ShapeDtypeStruct((N_TOKENS, _SCORE_STRIDE), jnp.float32),
    )(x, x, w2, b2)


def _sc_select(scores, group):
    mesh = plsc.VectorSubcoreMesh(core_axis_name="c", subcore_axis_name="s")

    @functools.partial(
        pl.kernel, mesh=mesh,
        out_type=jax.ShapeDtypeStruct((N_TOKENS,), jnp.float32),
        scratch_types=[
            pltpu.VMEM((_TOK_PER_WORKER,), jnp.int32),
            pltpu.VMEM((_TOK_PER_WORKER,), jnp.int32),
            pltpu.VMEM((_TOK_PER_WORKER,), jnp.float32),
            pltpu.SemaphoreType.DMA,
        ],
    )
    def sel(scores_hbm, group_hbm, out_hbm, g_v, idx_v, y_v, sem):
        wid = lax.axis_index("s") * 2 + lax.axis_index("c")
        base = wid * _TOK_PER_WORKER
        pltpu.sync_copy(group_hbm.at[pl.ds(base, _TOK_PER_WORKER)], g_v)
        lane = lax.broadcasted_iota(jnp.int32, (_LANES,), 0)
        for i in range(_TOK_PER_WORKER // _LANES):
            cols = g_v[pl.ds(i * _LANES, _LANES)]
            idx_v[pl.ds(i * _LANES, _LANES)] = (
                (lane + (base + i * _LANES)) * _SCORE_STRIDE + cols)
        pltpu.async_copy(scores_hbm.at[idx_v], y_v, sem).wait()
        pltpu.sync_copy(y_v, out_hbm.at[pl.ds(base, _TOK_PER_WORKER)])

    return sel(scores.reshape(-1), group)


def kernel(x, group, W, b):
    g1 = group.astype(jnp.int32)
    w2 = W.reshape(NUM_GROUPS, D_MODEL)
    b2 = b.reshape(1, NUM_GROUPS)
    scores = _tc_scores(x, w2, b2)
    y = _sc_select(scores, g1)
    return y.reshape(N_TOKENS, 1)

# --- scband reference (transcript-rebuilt; emitter-appended) ---
"""Pipeline reference for scband-hierarchical-wrapper-21509196218695 (READ-ONLY COPY).

The authoritative reference and input builder live on the scoring server;
editing this copy changes nothing except your own understanding.
"""

import jax, jax.numpy as jnp
import numpy as np

N_TOKENS = 8192
D_MODEL = 4096
NUM_GROUPS = 16

def setup_inputs(seed: int = 0) -> dict:
    key = jax.random.key(seed)
    k_x, k_g, k_w = jax.random.split(key, 3)
    x = jax.random.normal(k_x, (N_TOKENS, D_MODEL), dtype=jnp.float32)
    group = jax.random.randint(k_g, (N_TOKENS,), 0, NUM_GROUPS, dtype=jnp.int64)
    # Per-group linear parameters (nn.Linear(4096, 1) for each local model).
    # In the original module all locals start from the same global state_dict,
    # but structurally each group has its own weights, so we materialize G sets.
    bound = 1.0 / np.sqrt(D_MODEL)
    W = jax.random.uniform(k_w, (NUM_GROUPS, D_MODEL, 1), dtype=jnp.float32, minval=-bound, maxval=bound)
    b = jnp.zeros((NUM_GROUPS, 1), dtype=jnp.float32)
    return {"x": x, "group": group, "W": W, "b": b}

def reference(x, group, W, b):
    # Faithful to: y_pred[mask] = local_models[i](x[mask]) for each group i.
    # Each token's output is produced by exactly the linear model of its group,
    # which is equivalent to gathering that group's weight row-wise.
    Wg = jnp.take(W, group, axis=0)            # [N, D, 1] gather by group id
    bg = jnp.take(b, group, axis=0)            # [N, 1]
    y_pred = jnp.einsum('nd,ndo->no', x, Wg) + bg  # [N, 1]
    return y_pred

if __name__ == "__main__":
    import jax
    _d = setup_inputs()
    print(jax.jit(kernel)(*tuple(_d.values())))

</pallas_src>

<mosaic_0001>
#map = affine_map<(d0, d1) -> (0)>
module attributes {stable_mosaic.version = 14 : i64} {
  func.func @sel(%arg0: i32, %arg1: i32, %arg2: memref<1048576xf32, #tpu.memory_space<hbm>>, %arg3: memref<8192xi32, #tpu.memory_space<hbm>>, %arg4: memref<8192xf32, #tpu.memory_space<hbm>>, %arg5: memref<256xi32, #tpu.memory_space<vmem>>, %arg6: memref<256xi32, #tpu.memory_space<vmem>>, %arg7: memref<256xf32, #tpu.memory_space<vmem>>, %arg8: memref<!tpu.dma_semaphore, #tpu.memory_space<semaphore_mem>>) attributes {dimension_semantics = [#tpu.dimension_semantics<core_parallel>, #tpu.dimension_semantics<subcore_parallel>], iteration_bounds = array<i64: 2, 16>, scalar_prefetch = 0 : i64, scratch_operands = 4 : i64, tpu.core_type = #tpu.core_type<sc_vector_subcore>, window_params = [{transform_indices = #map}, {transform_indices = #map}, {transform_indices = #map}]} {
    %mul3A = arith.constant 2 : i32
    %mul3A_0 = arith.muli %arg1, %mul3A : i32
    %add3A = arith.addi %mul3A_0, %arg0 : i32
    %mul3A_1 = arith.constant 256 : i32
    %mul3A_2 = arith.muli %add3A, %mul3A_1 : i32
    "tpu.region"() ({
      %run_scoped3A = tpu.sem_alloc : memref<!tpu.dma_semaphore, #tpu.memory_space<semaphore_mem>>
      %dma_start3A_243 = tpu.memref_slice %arg3[%mul3A_2] : memref<8192xi32, #tpu.memory_space<hbm>> -> memref<256xi32, #tpu.memory_space<hbm>>
      %dma_start3A_244 = tpu.memref_slice %arg3[%mul3A_2] : memref<8192xi32, #tpu.memory_space<hbm>> -> memref<256xi32, #tpu.memory_space<hbm>>
      tpu.enqueue_dma source(%dma_start3A_244 : memref<256xi32, #tpu.memory_space<hbm>>) target(%arg5 : memref<256xi32, #tpu.memory_space<vmem>>) target_semaphore(%run_scoped3A : memref<!tpu.dma_semaphore, #tpu.memory_space<semaphore_mem>>)
      %dma_wait3A_245 = tpu.memref_slice %arg3[%mul3A_2] : memref<8192xi32, #tpu.memory_space<hbm>> -> memref<256xi32, #tpu.memory_space<hbm>>
      %dma_wait3A_246 = tpu.memref_slice %arg3[%mul3A_2] : memref<8192xi32, #tpu.memory_space<hbm>> -> memref<256xi32, #tpu.memory_space<hbm>>
      tpu.wait_dma2 semaphore(%run_scoped3A : memref<!tpu.dma_semaphore, #tpu.memory_space<semaphore_mem>>) src(%dma_wait3A_246 : memref<256xi32, #tpu.memory_space<hbm>>) dst(%arg5 : memref<256xi32, #tpu.memory_space<vmem>>)
      tpu.yield
    }) : () -> ()
    %iota3A = tpu.iota {dimensions = array<i32: 0>} : vector<16xi32>
    %get3A = arith.constant 0 : index
    %get3A_3 = tpu.vector_load %arg5[%get3A] {strides = array<i32>} : memref<256xi32, #tpu.memory_space<vmem>>, vector<16xi32>,
    %get3A_4 = vector.shape_cast %get3A_3 : vector<16xi32> to vector<16xi32>
    %add3A_5 = arith.constant 0 : i32
    %add3A_6 = arith.addi %mul3A_2, %add3A_5 : i32
    %add3A_7 = vector.broadcast %add3A_6 : i32 to vector<16xi32>
    %add3A_8 = arith.addi %iota3A, %add3A_7 : vector<16xi32>
    %mul3A_9 = arith.constant 128 : i32
    %mul3A_10 = vector.broadcast %mul3A_9 : i32 to vector<16xi32>
    %mul3A_11 = arith.muli %add3A_8, %mul3A_10 : vector<16xi32>
    %add3A_12 = arith.addi %mul3A_11, %get3A_4 : vector<16xi32>
    %swap3A = arith.constant 0 : index
    %swap3A_13 = tpu.vector_load %arg6[%swap3A] {strides = array<i32>} : memref<256xi32, #tpu.memory_space<vmem>>, vector<16xi32>,
    %swap3A_14 = vector.shape_cast %swap3A_13 : vector<16xi32> to vector<16xi32>
    %swap3A_15 = vector.shape_cast %add3A_12 : vector<16xi32> to vector<16xi32>
    tpu.vector_store %arg6[%swap3A], %swap3A_15 {strides = array<i32>} : memref<256xi32, #tpu.memory_space<vmem>>, vector<16xi32>,
    %get3A_16 = arith.constant 16 : index
    %get3A_17 = tpu.vector_load %arg5[%get3A_16] {strides = array<i32>} : memref<256xi32, #tpu.memory_space<vmem>>, vector<16xi32>,
    %get3A_18 = vector.shape_cast %get3A_17 : vector<16xi32> to vector<16xi32>
    %add3A_19 = arith.constant 16 : i32
    %add3A_20 = arith.addi %mul3A_2, %add3A_19 : i32
    %add3A_21 = vector.broadcast %add3A_20 : i32 to vector<16xi32>
    %add3A_22 = arith.addi %iota3A, %add3A_21 : vector<16xi32>
    %mul3A_23 = arith.constant 128 : i32
    %mul3A_24 = vector.broadcast %mul3A_23 : i32 to vector<16xi32>
    %mul3A_25 = arith.muli %add3A_22, %mul3A_24 : vector<16xi32>
    %add3A_26 = arith.addi %mul3A_25, %get3A_18 : vector<16xi32>
    %swap3A_27 = arith.constant 16 : index
    %swap3A_28 = tpu.vector_load %arg6[%swap3A_27] {strides = array<i32>} : memref<256xi32, #tpu.memory_space<vmem>>, vector<16xi32>,
    %swap3A_29 = vector.shape_cast %swap3A_28 : vector<16xi32> to vector<16xi32>
    %swap3A_30 = vector.shape_cast %add3A_26 : vector<16xi32> to vector<16xi32>
    tpu.vector_store %arg6[%swap3A_27], %swap3A_30 {strides = array<i32>} : memref<256xi32, #tpu.memory_space<vmem>>, vector<16xi32>,
    %get3A_31 = arith.constant 32 : index
    %get3A_32 = tpu.vector_load %arg5[%get3A_31] {strides = array<i32>} : memref<256xi32, #tpu.memory_space<vmem>>, vector<16xi32>,
    %get3A_33 = vector.shape_cast %get3A_32 : vector<16xi32> to vector<16xi32>
    %add3A_34 = arith.constant 32 : i32
    %add3A_35 = arith.addi %mul3A_2, %add3A_34 : i32
    %add3A_36 = vector.broadcast %add3A_35 : i32 to vector<16xi32>
    %add3A_37 = arith.addi %iota3A, %add3A_36 : vector<16xi32>
    %mul3A_38 = arith.constant 128 : i32
    %mul3A_39 = vector.broadcast %mul3A_38 : i32 to vector<16xi32>
    %mul3A_40 = arith.muli %add3A_37, %mul3A_39 : vector<16xi32>
    %add3A_41 = arith.addi %mul3A_40, %get3A_33 : vector<16xi32>
    %swap3A_42 = arith.constant 32 : index
    %swap3A_43 = tpu.vector_load %arg6[%swap3A_42] {strides = array<i32>} : memref<256xi32, #tpu.memory_space<vmem>>, vector<16xi32>,
    %swap3A_44 = vector.shape_cast %swap3A_43 : vector<16xi32> to vector<16xi32>
    %swap3A_45 = vector.shape_cast %add3A_41 : vector<16xi32> to vector<16xi32>
    tpu.vector_store %arg6[%swap3A_42], %swap3A_45 {strides = array<i32>} : memref<256xi32, #tpu.memory_space<vmem>>, vector<16xi32>,
    %get3A_46 = arith.constant 48 : index
    %get3A_47 = tpu.vector_load %arg5[%get3A_46] {strides = array<i32>} : memref<256xi32, #tpu.memory_space<vmem>>, vector<16xi32>,
    %get3A_48 = vector.shape_cast %get3A_47 : vector<16xi32> to vector<16xi32>
    %add3A_49 = arith.constant 48 : i32
    %add3A_50 = arith.addi %mul3A_2, %add3A_49 : i32
    %add3A_51 = vector.broadcast %add3A_50 : i32 to vector<16xi32>
    %add3A_52 = arith.addi %iota3A, %add3A_51 : vector<16xi32>
    %mul3A_53 = arith.constant 128 : i32
    %mul3A_54 = vector.broadcast %mul3A_53 : i32 to vector<16xi32>
    %mul3A_55 = arith.muli %add3A_52, %mul3A_54 : vector<16xi32>
    %add3A_56 = arith.addi %mul3A_55, %get3A_48 : vector<16xi32>
    %swap3A_57 = arith.constant 48 : index
    %swap3A_58 = tpu.vector_load %arg6[%swap3A_57] {strides = array<i32>} : memref<256xi32, #tpu.memory_space<vmem>>, vector<16xi32>,
    %swap3A_59 = vector.shape_cast %swap3A_58 : vector<16xi32> to vector<16xi32>
    %swap3A_60 = vector.shape_cast %add3A_56 : vector<16xi32> to vector<16xi32>
    tpu.vector_store %arg6[%swap3A_57], %swap3A_60 {strides = array<i32>} : memref<256xi32, #tpu.memory_space<vmem>>, vector<16xi32>,
    %get3A_61 = arith.constant 64 : index
    %get3A_62 = tpu.vector_load %arg5[%get3A_61] {strides = array<i32>} : memref<256xi32, #tpu.memory_space<vmem>>, vector<16xi32>,
    %get3A_63 = vector.shape_cast %get3A_62 : vector<16xi32> to vector<16xi32>
    %add3A_64 = arith.constant 64 : i32
    %add3A_65 = arith.addi %mul3A_2, %add3A_64 : i32
    %add3A_66 = vector.broadcast %add3A_65 : i32 to vector<16xi32>
    %add3A_67 = arith.addi %iota3A, %add3A_66 : vector<16xi32>
    %mul3A_68 = arith.constant 128 : i32
    %mul3A_69 = vector.broadcast %mul3A_68 : i32 to vector<16xi32>
    %mul3A_70 = arith.muli %add3A_67, %mul3A_69 : vector<16xi32>
    %add3A_71 = arith.addi %mul3A_70, %get3A_63 : vector<16xi32>
    %swap3A_72 = arith.constant 64 : index
    %swap3A_73 = tpu.vector_load %arg6[%swap3A_72] {strides = array<i32>} : memref<256xi32, #tpu.memory_space<vmem>>, vector<16xi32>,
    %swap3A_74 = vector.shape_cast %swap3A_73 : vector<16xi32> to vector<16xi32>
    %swap3A_75 = vector.shape_cast %add3A_71 : vector<16xi32> to vector<16xi32>
    tpu.vector_store %arg6[%swap3A_72], %swap3A_75 {strides = array<i32>} : memref<256xi32, #tpu.memory_space<vmem>>, vector<16xi32>,
    %get3A_76 = arith.constant 80 : index
    %get3A_77 = tpu.vector_load %arg5[%get3A_76] {strides = array<i32>} : memref<256xi32, #tpu.memory_space<vmem>>, vector<16xi32>,
    %get3A_78 = vector.shape_cast %get3A_77 : vector<16xi32> to vector<16xi32>
    %add3A_79 = arith.constant 80 : i32
    %add3A_80 = arith.addi %mul3A_2, %add3A_79 : i32
    %add3A_81 = vector.broadcast %add3A_80 : i32 to vector<16xi32>
    %add3A_82 = arith.addi %iota3A, %add3A_81 : vector<16xi32>
    %mul3A_83 = arith.constant 128 : i32
    %mul3A_84 = vector.broadcast %mul3A_83 : i32 to vector<16xi32>
    %mul3A_85 = arith.muli %add3A_82, %mul3A_84 : vector<16xi32>
    %add3A_86 = arith.addi %mul3A_85, %get3A_78 : vector<16xi32>
    %swap3A_87 = arith.constant 80 : index
    %swap3A_88 = tpu.vector_load %arg6[%swap3A_87] {strides = array<i32>} : memref<256xi32, #tpu.memory_space<vmem>>, vector<16xi32>,
    %swap3A_89 = vector.shape_cast %swap3A_88 : vector<16xi32> to vector<16xi32>
    %swap3A_90 = vector.shape_cast %add3A_86 : vector<16xi32> to vector<16xi32>
    tpu.vector_store %arg6[%swap3A_87], %swap3A_90 {strides = array<i32>} : memref<256xi32, #tpu.memory_space<vmem>>, vector<16xi32>,
    %get3A_91 = arith.constant 96 : index
    %get3A_92 = tpu.vector_load %arg5[%get3A_91] {strides = array<i32>} : memref<256xi32, #tpu.memory_space<vmem>>, vector<16xi32>,
    %get3A_93 = vector.shape_cast %get3A_92 : vector<16xi32> to vector<16xi32>
    %add3A_94 = arith.constant 96 : i32
    %add3A_95 = arith.addi %mul3A_2, %add3A_94 : i32
    %add3A_96 = vector.broadcast %add3A_95 : i32 to vector<16xi32>
    %add3A_97 = arith.addi %iota3A, %add3A_96 : vector<16xi32>
    %mul3A_98 = arith.constant 128 : i32
    %mul3A_99 = vector.broadcast %mul3A_98 : i32 to vector<16xi32>
    %mul3A_100 = arith.muli %add3A_97, %mul3A_99 : vector<16xi32>
    %add3A_101 = arith.addi %mul3A_100, %get3A_93 : vector<16xi32>
    %swap3A_102 = arith.constant 96 : index
    %swap3A_103 = tpu.vector_load %arg6[%swap3A_102] {strides = array<i32>} : memref<256xi32, #tpu.memory_space<vmem>>, vector<16xi32>,
    %swap3A_104 = vector.shape_cast %swap3A_103 : vector<16xi32> to vector<16xi32>
    %swap3A_105 = vector.shape_cast %add3A_101 : vector<16xi32> to vector<16xi32>
    tpu.vector_store %arg6[%swap3A_102], %swap3A_105 {strides = array<i32>} : memref<256xi32, #tpu.memory_space<vmem>>, vector<16xi32>,
    %get3A_106 = arith.constant 112 : index
    %get3A_107 = tpu.vector_load %arg5[%get3A_106] {strides = array<i32>} : memref<256xi32, #tpu.memory_space<vmem>>, vector<16xi32>,
    %get3A_108 = vector.shape_cast %get3A_107 : vector<16xi32> to vector<16xi32>
    %add3A_109 = arith.constant 112 : i32
    %add3A_110 = arith.addi %mul3A_2, %add3A_109 : i32
    %add3A_111 = vector.broadcast %add3A_110 : i32 to vector<16xi32>
    %add3A_112 = arith.addi %iota3A, %add3A_111 : vector<16xi32>
    %mul3A_113 = arith.constant 128 : i32
    %mul3A_114 = vector.broadcast %mul3A_113 : i32 to vector<16xi32>
    %mul3A_115 = arith.muli %add3A_112, %mul3A_114 : vector<16xi32>
    %add3A_116 = arith.addi %mul3A_115, %get3A_108 : vector<16xi32>
    %swap3A_117 = arith.constant 112 : index
    %swap3A_118 = tpu.vector_load %arg6[%swap3A_117] {strides = array<i32>} : memref<256xi32, #tpu.memory_space<vmem>>, vector<16xi32>,
    %swap3A_119 = vector.shape_cast %swap3A_118 : vector<16xi32> to vector<16xi32>
    %swap3A_120 = vector.shape_cast %add3A_116 : vector<16xi32> to vector<16xi32>
    tpu.vector_store %arg6[%swap3A_117], %swap3A_120 {strides = array<i32>} : memref<256xi32, #tpu.memory_space<vmem>>, vector<16xi32>,
    %get3A_121 = arith.constant 128 : index
    %get3A_122 = tpu.vector_load %arg5[%get3A_121] {strides = array<i32>} : memref<256xi32, #tpu.memory_space<vmem>>, vector<16xi32>,
    %get3A_123 = vector.shape_cast %get3A_122 : vector<16xi32> to vector<16xi32>
    %add3A_124 = arith.constant 128 : i32
    %add3A_125 = arith.addi %mul3A_2, %add3A_124 : i32
    %add3A_126 = vector.broadcast %add3A_125 : i32 to vector<16xi32>
    %add3A_127 = arith.addi %iota3A, %add3A_126 : vector<16xi32>
    %mul3A_128 = arith.constant 128 : i32
    %mul3A_129 = vector.broadcast %mul3A_128 : i32 to vector<16xi32>
    %mul3A_130 = arith.muli %add3A_127, %mul3A_129 : vector<16xi32>
    %add3A_131 = arith.addi %mul3A_130, %get3A_123 : vector<16xi32>
    %swap3A_132 = arith.constant 128 : index
    %swap3A_133 = tpu.vector_load %arg6[%swap3A_132] {strides = array<i32>} : memref<256xi32, #tpu.memory_space<vmem>>, vector<16xi32>,
    %swap3A_134 = vector.shape_cast %swap3A_133 : vector<16xi32> to vector<16xi32>
    %swap3A_135 = vector.shape_cast %add3A_131 : vector<16xi32> to vector<16xi32>
    tpu.vector_store %arg6[%swap3A_132], %swap3A_135 {strides = array<i32>} : memref<256xi32, #tpu.memory_space<vmem>>, vector<16xi32>,
    %get3A_136 = arith.constant 144 : index
    %get3A_137 = tpu.vector_load %arg5[%get3A_136] {strides = array<i32>} : memref<256xi32, #tpu.memory_space<vmem>>, vector<16xi32>,
    %get3A_138 = vector.shape_cast %get3A_137 : vector<16xi32> to vector<16xi32>
    %add3A_139 = arith.constant 144 : i32
    %add3A_140 = arith.addi %mul3A_2, %add3A_139 : i32
    %add3A_141 = vector.broadcast %add3A_140 : i32 to vector<16xi32>
    %add3A_142 = arith.addi %iota3A, %add3A_141 : vector<16xi32>
    %mul3A_143 = arith.constant 128 : i32
    %mul3A_144 = vector.broadcast %mul3A_143 : i32 to vector<16xi32>
    %mul3A_145 = arith.muli %add3A_142, %mul3A_144 : vector<16xi32>
    %add3A_146 = arith.addi %mul3A_145, %get3A_138 : vector<16xi32>
    %swap3A_147 = arith.constant 144 : index
    %swap3A_148 = tpu.vector_load %arg6[%swap3A_147] {strides = array<i32>} : memref<256xi32, #tpu.memory_space<vmem>>, vector<16xi32>,
    %swap3A_149 = vector.shape_cast %swap3A_148 : vector<16xi32> to vector<16xi32>
    %swap3A_150 = vector.shape_cast %add3A_146 : vector<16xi32> to vector<16xi32>
    tpu.vector_store %arg6[%swap3A_147], %swap3A_150 {strides = array<i32>} : memref<256xi32, #tpu.memory_space<vmem>>, vector<16xi32>,
    %get3A_151 = arith.constant 160 : index
    %get3A_152 = tpu.vector_load %arg5[%get3A_151] {strides = array<i32>} : memref<256xi32, #tpu.memory_space<vmem>>, vector<16xi32>,
    %get3A_153 = vector.shape_cast %get3A_152 : vector<16xi32> to vector<16xi32>
    %add3A_154 = arith.constant 160 : i32
    %add3A_155 = arith.addi %mul3A_2, %add3A_154 : i32
    %add3A_156 = vector.broadcast %add3A_155 : i32 to vector<16xi32>
    %add3A_157 = arith.addi %iota3A, %add3A_156 : vector<16xi32>
    %mul3A_158 = arith.constant 128 : i32
    %mul3A_159 = vector.broadcast %mul3A_158 : i32 to vector<16xi32>
    %mul3A_160 = arith.muli %add3A_157, %mul3A_159 : vector<16xi32>
    %add3A_161 = arith.addi %mul3A_160, %get3A_153 : vector<16xi32>
    %swap3A_162 = arith.constant 160 : index
    %swap3A_163 = tpu.vector_load %arg6[%swap3A_162] {strides = array<i32>} : memref<256xi32, #tpu.memory_space<vmem>>, vector<16xi32>,
    %swap3A_164 = vector.shape_cast %swap3A_163 : vector<16xi32> to vector<16xi32>
    %swap3A_165 = vector.shape_cast %add3A_161 : vector<16xi32> to vector<16xi32>
    tpu.vector_store %arg6[%swap3A_162], %swap3A_165 {strides = array<i32>} : memref<256xi32, #tpu.memory_space<vmem>>, vector<16xi32>,
    %get3A_166 = arith.constant 176 : index
    %get3A_167 = tpu.vector_load %arg5[%get3A_166] {strides = array<i32>} : memref<256xi32, #tpu.memory_space<vmem>>, vector<16xi32>,
    %get3A_168 = vector.shape_cast %get3A_167 : vector<16xi32> to vector<16xi32>
    %add3A_169 = arith.constant 176 : i32
    %add3A_170 = arith.addi %mul3A_2, %add3A_169 : i32
    %add3A_171 = vector.broadcast %add3A_170 : i32 to vector<16xi32>
    %add3A_172 = arith.addi %iota3A, %add3A_171 : vector<16xi32>
    %mul3A_173 = arith.constant 128 : i32
    %mul3A_174 = vector.broadcast %mul3A_173 : i32 to vector<16xi32>
    %mul3A_175 = arith.muli %add3A_172, %mul3A_174 : vector<16xi32>
    %add3A_176 = arith.addi %mul3A_175, %get3A_168 : vector<16xi32>
    %swap3A_177 = arith.constant 176 : index
    %swap3A_178 = tpu.vector_load %arg6[%swap3A_177] {strides = array<i32>} : memref<256xi32, #tpu.memory_space<vmem>>, vector<16xi32>,
    %swap3A_179 = vector.shape_cast %swap3A_178 : vector<16xi32> to vector<16xi32>
    %swap3A_180 = vector.shape_cast %add3A_176 : vector<16xi32> to vector<16xi32>
    tpu.vector_store %arg6[%swap3A_177], %swap3A_180 {strides = array<i32>} : memref<256xi32, #tpu.memory_space<vmem>>, vector<16xi32>,
    %get3A_181 = arith.constant 192 : index
    %get3A_182 = tpu.vector_load %arg5[%get3A_181] {strides = array<i32>} : memref<256xi32, #tpu.memory_space<vmem>>, vector<16xi32>,
    %get3A_183 = vector.shape_cast %get3A_182 : vector<16xi32> to vector<16xi32>
    %add3A_184 = arith.constant 192 : i32
    %add3A_185 = arith.addi %mul3A_2, %add3A_184 : i32
    %add3A_186 = vector.broadcast %add3A_185 : i32 to vector<16xi32>
    %add3A_187 = arith.addi %iota3A, %add3A_186 : vector<16xi32>
    %mul3A_188 = arith.constant 128 : i32
    %mul3A_189 = vector.broadcast %mul3A_188 : i32 to vector<16xi32>
    %mul3A_190 = arith.muli %add3A_187, %mul3A_189 : vector<16xi32>
    %add3A_191 = arith.addi %mul3A_190, %get3A_183 : vector<16xi32>
    %swap3A_192 = arith.constant 192 : index
    %swap3A_193 = tpu.vector_load %arg6[%swap3A_192] {strides = array<i32>} : memref<256xi32, #tpu.memory_space<vmem>>, vector<16xi32>,
    %swap3A_194 = vector.shape_cast %swap3A_193 : vector<16xi32> to vector<16xi32>
    %swap3A_195 = vector.shape_cast %add3A_191 : vector<16xi32> to vector<16xi32>
    tpu.vector_store %arg6[%swap3A_192], %swap3A_195 {strides = array<i32>} : memref<256xi32, #tpu.memory_space<vmem>>, vector<16xi32>,
    %get3A_196 = arith.constant 208 : index
    %get3A_197 = tpu.vector_load %arg5[%get3A_196] {strides = array<i32>} : memref<256xi32, #tpu.memory_space<vmem>>, vector<16xi32>,
    %get3A_198 = vector.shape_cast %get3A_197 : vector<16xi32> to vector<16xi32>
    %add3A_199 = arith.constant 208 : i32
    %add3A_200 = arith.addi %mul3A_2, %add3A_199 : i32
    %add3A_201 = vector.broadcast %add3A_200 : i32 to vector<16xi32>
    %add3A_202 = arith.addi %iota3A, %add3A_201 : vector<16xi32>
    %mul3A_203 = arith.constant 128 : i32
    %mul3A_204 = vector.broadcast %mul3A_203 : i32 to vector<16xi32>
    %mul3A_205 = arith.muli %add3A_202, %mul3A_204 : vector<16xi32>
    %add3A_206 = arith.addi %mul3A_205, %get3A_198 : vector<16xi32>
    %swap3A_207 = arith.constant 208 : index
    %swap3A_208 = tpu.vector_load %arg6[%swap3A_207] {strides = array<i32>} : memref<256xi32, #tpu.memory_space<vmem>>, vector<16xi32>,
    %swap3A_209 = vector.shape_cast %swap3A_208 : vector<16xi32> to vector<16xi32>
    %swap3A_210 = vector.shape_cast %add3A_206 : vector<16xi32> to vector<16xi32>
    tpu.vector_store %arg6[%swap3A_207], %swap3A_210 {strides = array<i32>} : memref<256xi32, #tpu.memory_space<vmem>>, vector<16xi32>,
    %get3A_211 = arith.constant 224 : index
    %get3A_212 = tpu.vector_load %arg5[%get3A_211] {strides = array<i32>} : memref<256xi32, #tpu.memory_space<vmem>>, vector<16xi32>,
    %get3A_213 = vector.shape_cast %get3A_212 : vector<16xi32> to vector<16xi32>
    %add3A_214 = arith.constant 224 : i32
    %add3A_215 = arith.addi %mul3A_2, %add3A_214 : i32
    %add3A_216 = vector.broadcast %add3A_215 : i32 to vector<16xi32>
    %add3A_217 = arith.addi %iota3A, %add3A_216 : vector<16xi32>
    %mul3A_218 = arith.constant 128 : i32
    %mul3A_219 = vector.broadcast %mul3A_218 : i32 to vector<16xi32>
    %mul3A_220 = arith.muli %add3A_217, %mul3A_219 : vector<16xi32>
    %add3A_221 = arith.addi %mul3A_220, %get3A_213 : vector<16xi32>
    %swap3A_222 = arith.constant 224 : index
    %swap3A_223 = tpu.vector_load %arg6[%swap3A_222] {strides = array<i32>} : memref<256xi32, #tpu.memory_space<vmem>>, vector<16xi32>,
    %swap3A_224 = vector.shape_cast %swap3A_223 : vector<16xi32> to vector<16xi32>
    %swap3A_225 = vector.shape_cast %add3A_221 : vector<16xi32> to vector<16xi32>
    tpu.vector_store %arg6[%swap3A_222], %swap3A_225 {strides = array<i32>} : memref<256xi32, #tpu.memory_space<vmem>>, vector<16xi32>,
    %get3A_226 = arith.constant 240 : index
    %get3A_227 = tpu.vector_load %arg5[%get3A_226] {strides = array<i32>} : memref<256xi32, #tpu.memory_space<vmem>>, vector<16xi32>,
    %get3A_228 = vector.shape_cast %get3A_227 : vector<16xi32> to vector<16xi32>
    %add3A_229 = arith.constant 240 : i32
    %add3A_230 = arith.addi %mul3A_2, %add3A_229 : i32
    %add3A_231 = vector.broadcast %add3A_230 : i32 to vector<16xi32>
    %add3A_232 = arith.addi %iota3A, %add3A_231 : vector<16xi32>
    %mul3A_233 = arith.constant 128 : i32
    %mul3A_234 = vector.broadcast %mul3A_233 : i32 to vector<16xi32>
    %mul3A_235 = arith.muli %add3A_232, %mul3A_234 : vector<16xi32>
    %add3A_236 = arith.addi %mul3A_235, %get3A_228 : vector<16xi32>
    %swap3A_237 = arith.constant 240 : index
    %swap3A_238 = tpu.vector_load %arg6[%swap3A_237] {strides = array<i32>} : memref<256xi32, #tpu.memory_space<vmem>>, vector<16xi32>,
    %swap3A_239 = vector.shape_cast %swap3A_238 : vector<16xi32> to vector<16xi32>
    %swap3A_240 = vector.shape_cast %add3A_236 : vector<16xi32> to vector<16xi32>
    tpu.vector_store %arg6[%swap3A_237], %swap3A_240 {strides = array<i32>} : memref<256xi32, #tpu.memory_space<vmem>>, vector<16xi32>,
    %dma_start3A = arith.constant 0 : i32
    %dma_start3A_241 = tpu.memref_slice %arg2[%dma_start3A] : memref<1048576xf32, #tpu.memory_space<hbm>> -> memref<1048576xf32, #tpu.memory_space<hbm>>
    tpu.enqueue_indirect_dma source(%dma_start3A_241 : memref<1048576xf32, #tpu.memory_space<hbm>>) target(%arg7 : memref<256xf32, #tpu.memory_space<vmem>>) offsets(%arg6 : memref<256xi32, #tpu.memory_space<vmem>>) semaphore(%arg8 : memref<!tpu.dma_semaphore, #tpu.memory_space<semaphore_mem>>)
    %dma_wait3A = arith.constant 0 : i32
    %dma_wait3A_242 = tpu.memref_slice %arg2[%dma_wait3A] : memref<1048576xf32, #tpu.memory_space<hbm>> -> memref<1048576xf32, #tpu.memory_space<hbm>>
    tpu.wait_indirect_dma semaphore(%arg8 : memref<!tpu.dma_semaphore, #tpu.memory_space<semaphore_mem>>) src(%dma_wait3A_242 : memref<1048576xf32, #tpu.memory_space<hbm>>) dst(%arg7 : memref<256xf32, #tpu.memory_space<vmem>>)
    "tpu.region"() ({
      %run_scoped3A = tpu.sem_alloc : memref<!tpu.dma_semaphore, #tpu.memory_space<semaphore_mem>>
      %dma_start3A_243 = tpu.memref_slice %arg4[%mul3A_2] : memref<8192xf32, #tpu.memory_space<hbm>> -> memref<256xf32, #tpu.memory_space<hbm>>
      %dma_start3A_244 = tpu.memref_slice %arg4[%mul3A_2] : memref<8192xf32, #tpu.memory_space<hbm>> -> memref<256xf32, #tpu.memory_space<hbm>>
      tpu.enqueue_dma source(%arg7 : memref<256xf32, #tpu.memory_space<vmem>>) target(%dma_start3A_244 : memref<256xf32, #tpu.memory_space<hbm>>) target_semaphore(%run_scoped3A : memref<!tpu.dma_semaphore, #tpu.memory_space<semaphore_mem>>)
      %dma_wait3A_245 = tpu.memref_slice %arg4[%mul3A_2] : memref<8192xf32, #tpu.memory_space<hbm>> -> memref<256xf32, #tpu.memory_space<hbm>>
      %dma_wait3A_246 = tpu.memref_slice %arg4[%mul3A_2] : memref<8192xf32, #tpu.memory_space<hbm>> -> memref<256xf32, #tpu.memory_space<hbm>>
      tpu.wait_dma2 semaphore(%run_scoped3A : memref<!tpu.dma_semaphore, #tpu.memory_space<semaphore_mem>>) src(%arg7 : memref<256xf32, #tpu.memory_space<vmem>>) dst(%dma_wait3A_246 : memref<256xf32, #tpu.memory_space<hbm>>)
      tpu.yield
    }) : () -> ()
    return
  }
}

module attributes {stable_mosaic.version = 14 : i64} {
  func.func @_scores_kernel(%arg0: i32, %arg1: memref<256x4096xf32, #tpu.memory_space<vmem>>, %arg2: memref<256x4096xf32, #tpu.memory_space<vmem>>, %arg3: memref<16x4096xf32, #tpu.memory_space<vmem>>, %arg4: memref<1x16xf32, #tpu.memory_space<vmem>>, %arg5: memref<512x128xf32, #tpu.memory_space<vmem>>) attributes {dimension_semantics = [#tpu.dimension_semantics<arbitrary>], iteration_bounds = array<i64: 16>, scalar_prefetch = 0 : i64, scratch_operands = 0 : i64, tpu.core_type = #tpu.core_type<tc>, window_params = [{transform_indices = @transform_0, window_bounds = array<i64: 256, 4096>}, {transform_indices = @transform_1, window_bounds = array<i64: 256, 4096>}, {pipeline_mode = #tpu.pipeline_mode<synchronous>, transform_indices = @transform_2, window_bounds = array<i64: 16, 4096>}, {pipeline_mode = #tpu.pipeline_mode<synchronous>, transform_indices = @transform_3, window_bounds = array<i64: 1, 16>}, {transform_indices = @transform_4, window_bounds = array<i64: 512, 128>}]} {
    %get3A = arith.constant 0 : index
    %get3A_0 = arith.constant 0 : index
    %get3A_1 = vector.load %arg3[%get3A, %get3A_0] : memref<16x4096xf32, #tpu.memory_space<vmem>>, vector<16x4096xf32>
    %get3A_2 = arith.constant 0 : index
    %get3A_3 = arith.constant 0 : index
    %get3A_4 = vector.load %arg1[%get3A_2, %get3A_3] : memref<256x4096xf32, #tpu.memory_space<vmem>>, vector<256x4096xf32>
    %dot_general3A = arith.constant dense<0.000000e+00> : vector<256x16xf32>
    %dot_general3A_5 = tpu.matmul %get3A_4, %get3A_1, %dot_general3A {dimension_numbers = #tpu.dot_dimension_numbers<[1], [1], [0], [0], [0, 0, 1, 0], [], []>, transpose_lhs_hint = false} : vector<256x4096xf32>, vector<16x4096xf32>, vector<256x16xf32> -> vector<256x16xf32>
    %get3A_6 = arith.constant 0 : index
    %get3A_7 = arith.constant 0 : index
    %get3A_8 = vector.load %arg2[%get3A_6, %get3A_7] : memref<256x4096xf32, #tpu.memory_space<vmem>>, vector<256x4096xf32>
    %dot_general3A_9 = arith.constant dense<0.000000e+00> : vector<256x16xf32>
    %dot_general3A_10 = tpu.matmul %get3A_8, %get3A_1, %dot_general3A_9 {dimension_numbers = #tpu.dot_dimension_numbers<[1], [1], [0], [0], [0, 0, 1, 0], [], []>, transpose_lhs_hint = false} : vector<256x4096xf32>, vector<16x4096xf32>, vector<256x16xf32> -> vector<256x16xf32>
    %get3A_11 = arith.constant 0 : index
    %get3A_12 = arith.constant 0 : index
    %get3A_13 = vector.load %arg4[%get3A_11, %get3A_12] : memref<1x16xf32, #tpu.memory_space<vmem>>, vector<1x16xf32>
    %add3A = vector.broadcast %get3A_13 : vector<1x16xf32> to vector<256x16xf32>
    %add3A_14 = arith.addf %dot_general3A_5, %add3A : vector<256x16xf32>
    %swap3A = arith.constant 0 : index
    %swap3A_15 = arith.constant 0 : index
    %swap3A_16 = vector.load %arg5[%swap3A, %swap3A_15] : memref<512x128xf32, #tpu.memory_space<vmem>>, vector<256x16xf32>
    tpu.vector_store %arg5[%swap3A, %swap3A_15], %add3A_14 {strides = array<i32>} : memref<512x128xf32, #tpu.memory_space<vmem>>, vector<256x16xf32>,
    %add3A_17 = vector.broadcast %get3A_13 : vector<1x16xf32> to vector<256x16xf32>
    %add3A_18 = arith.addf %dot_general3A_10, %add3A_17 : vector<256x16xf32>
    %swap3A_19 = arith.constant 256 : index
    %swap3A_20 = arith.constant 0 : index
    %swap3A_21 = vector.load %arg5[%swap3A_19, %swap3A_20] : memref<512x128xf32, #tpu.memory_space<vmem>>, vector<256x16xf32>
    tpu.vector_store %arg5[%swap3A_19, %swap3A_20], %add3A_18 {strides = array<i32>} : memref<512x128xf32, #tpu.memory_space<vmem>>, vector<256x16xf32>,
    return
  }
  func.func @transform_0(%arg0: i32) -> (i32, i32) {
    %mul3A = arith.constant 2 : i32
    %mul3A_0 = arith.muli %mul3A, %arg0 : i32
    %c0_i32 = arith.constant 0 : i32
    %c0_i32_1 = arith.constant 0 : i32
    return %mul3A_0, %c0_i32 : i32, i32
  }
  func.func @transform_1(%arg0: i32) -> (i32, i32) {
    %mul3A = arith.constant 2 : i32
    %mul3A_0 = arith.muli %mul3A, %arg0 : i32
    %add3A = arith.constant 1 : i32
    %add3A_1 = arith.addi %mul3A_0, %add3A : i32
    %c0_i32 = arith.constant 0 : i32
    %c0_i32_2 = arith.constant 0 : i32
    return %add3A_1, %c0_i32 : i32, i32
  }
  func.func @transform_2(%arg0: i32) -> (i32, i32) {
    %c0_i32 = arith.constant 0 : i32
    %c0_i32_0 = arith.constant 0 : i32
    %c0_i32_1 = arith.constant 0 : i32
    return %c0_i32, %c0_i32_0 : i32, i32
  }
  func.func @transform_3(%arg0: i32) -> (i32, i32) {
    %c0_i32 = arith.constant 0 : i32
    %c0_i32_0 = arith.constant 0 : i32
    %c0_i32_1 = arith.constant 0 : i32
    return %c0_i32, %c0_i32_0 : i32, i32
  }
  func.func @transform_4(%arg0: i32) -> (i32, i32) {
    %c0_i32 = arith.constant 0 : i32
    %c0_i32_0 = arith.constant 0 : i32
    return %arg0, %c0_i32 : i32, i32
  }
}

</mosaic_0001>

<sc_bundles>
// kernel: kernel.4.cloned.1.call-start
scs
__scs_entry_jumppad:
0x0: {  	(pc) =	sbr.rel $0x88, $3  }
0x1: {  	(tag) =	ssettag $0x0;
	lr =	simm.s32 $0x1  }
0x2: {  	[smem:$0x3F9D] =	sst lr;
	_ =	strace $0xD0000000  }
0x3: {  	_ = 	snop  }
0x4: {  	_ = 	snop  }
0x5: {  	_ = 	snop  }
0x6: {  	_ = 	snop  }
0x7: {  	_ = 	snop  }
__scs_overlays_trampoline_lowered:
0x8: {  	[smem:$0x3FAC] =	sst s0  }
0x9: {  	[smem:$0x3FAD] =	sst s1  }
0xa: {  	[smem:$0x3FAE] =	sst s2  }
0xb: {  	[smem:$0x3FAF] =	sst s3  }
0xc: {  	[smem:$0x3FB0] =	sst s4  }
0xd: {  	[smem:$0x3FB1] =	sst s5  }
0xe: {  	[smem:$0x3FB2] =	sst s6  }
0xf: {  	[smem:$0x3FB3] =	sst s7  }
0x10: {  	[smem:$0x3FB4] =	sst s8  }
0x11: {  	[smem:$0x3FB5] =	sst s9;
	s0 =	simm.s32 @!p0 $0x0  }
0x12: {  	s1 =	sld [smem:$0x3F9B];
	s0 =	simm.s32 @p0 $0x1  }
0x13: {  	[smem:$0x3FB6] =	sst s0;
	s0 =	simm.s32 @!p1 $0x0  }
0x14: {  	s2 =	sld [smem:$0x3F9A];
	s0 =	simm.s32 @p1 $0x1  }
0x15: {  	[smem:$0x3FB7] =	sst s0;
	s0 =	simm.s32 @!p2 $0x0  }
0x16: {  	s3 =	sld [smem:$0x3FDB];
	s0 =	simm.s32 @p2 $0x1  }
0x17: {  	s4 =	simm.s32 $0x1BF5;
	[smem:$0x3FB9] =	sst s0  }
0x18: {  	s0 =	sld [smem:$0x3F9C];
	_ =	swait.ge [sflag:s4], $0x0  }
0x19: {  	s7 =	sld [smem:$0x3F9D]  }
0x1a: {  	s8 =	sadd.s32 $0xFFFFE003, lr  }
0x1b: {  	s9 =	sadd.s32 $0xFFFFFEF7, lr;
	s5 =	simm.s32 $0xFFFFFFFF;
	p2 =	slt.u32 s8, $0xFFFFF086  }
0x1c: {  	p1 =	slt.u32 s9, $0xF7A;
	s5 =	simm.s32 @!p2 $0x0  }
0x1d: {  	s5 =	simm.s32 @p1 $0x1;
	p0 =	seq.s32 s7, s2  }
0x1e: {  	s7 =	smul.u32 @!p0 $0xF7A, s2;
	p2 =	seq.s32 @!p0 s5, $0x0  }
0x1f: {  	s9 =	smul.u32 $0xF7A, s1;
	s8 =	simm.s32 @!p0 $0x1BF5;
	p2 =	por !p2, p0  }
0x20: {  	[sflag:s8] =	ssyncset.s32 @!p0 $0xFFFFF086;
	s6 =	sadd.s32 @!p0 s3, s7;
	s7 =	simm.s32 @!p0 $0x108  }
0x21: {  	s3 =	sadd.s32 s3, s9;
	s6 =	sadd.s32 @!p0 $0x88, s6;
	s7 =	simm.s32 @p2 $0x1082  }
0x22: {  	[simem:s7], [sflag:s8] =	dma.local @!p0 [hbm:s6], $0xF7A  }
0x23: {  	s9 =	sor.u32 $0xD0000000, s2;
	s6 =	simm.s32 $0x108;
	_ =	swait.ge @!p0 [sflag:s8], $0x0  }
0x24: {  	s3 =	sadd.s32 $0x88, s3;
	s6 =	simm.s32 @!p1 $0x1082;
	[sflag:s4] =	ssyncset.s32 $0xFFFFF086  }
0x25: {  	[simem:s6], [sflag:s4] =	dma.local [hbm:s3], $0xF7A  }
0x26: {  	[smem:$0x3F9D] =	sst s1;
	(tag) =	ssettag s2;
	_ =	strace s9  }
0x27: {  	s1 =	sld [smem:$0x3FAD]  }
0x28: {  	s2 =	sld [smem:$0x3FAE]  }
0x29: {  	s4 =	sld [smem:$0x3FB0]  }
0x2a: {  	p0 =	seq.s32 s5, $0x0;
	s5 =	sld [smem:$0x3FB1]  }
0x2b: {  	s6 =	sld [smem:$0x3FB2]  }
0x2c: {  	s7 =	sld [smem:$0x3FB3]  }
0x2d: {  	s3 =	simm.s32 $0x108;
	s8 =	sld [smem:$0x3FB4]  }
0x2e: {  	s3 =	simm.s32 @!p0 $0x1082;
	s9 =	sld [smem:$0x3FB5]  }
0x2f: {  	lr =	sadd.s32 s0, s3;
	s0 =	sld [smem:$0x3FAC]  }
0x30: {  	s3 =	sld [smem:$0x3FAF]  }
0x31: {  	[smem:$0x3FB8] =	sst s10  }
0x32: {  	s10 =	sld [smem:$0x3FB6];
	_ =	sdelay $0x3  }
0x33: {  	p0 =	seq.s32 s10, $0x1;
	s10 =	sld [smem:$0x3FB8];
	_ =	sdelay $0x3  }
0x34: {  	[smem:$0x3FB8] =	sst s10  }
0x35: {  	s10 =	sld [smem:$0x3FB7];
	_ =	sdelay $0x3  }
0x36: {  	p1 =	seq.s32 s10, $0x1;
	s10 =	sld [smem:$0x3FB8];
	_ =	sdelay $0x3  }
0x37: {  	[smem:$0x3FB8] =	sst s10  }
0x38: {  	s10 =	sld [smem:$0x3FB9]  }
0x39: {  	_ = 	snop;
	(pc) =	sbr.ind lr, $3  }
0x3a: {  	_ = 	snop  }
0x3b: {  	_ = 	snop  }
0x3c: {  	p2 =	seq.s32 s10, $0x1;
	s10 =	sld [smem:$0x3FB8]  }
0x3d: {  	_ =	shalt  }
0x3e: {  	_ =	shalt  }
0x3f: {  	_ =	shalt  }
0x40: {  	_ =	shalt  }
0x41: {  	_ =	shalt  }
0x42: {  	_ =	shalt  }
0x43: {  	_ =	shalt  }
0x44: {  	_ =	shalt  }
0x45: {  	_ =	shalt  }
0x46: {  	_ =	shalt  }
0x47: {  	_ =	shalt  }
0x48: {  	_ =	shalt  }
0x49: {  	_ =	shalt  }
0x4a: {  	_ =	shalt  }
0x4b: {  	_ =	shalt  }
0x4c: {  	_ =	shalt  }
0x4d: {  	_ =	shalt  }
0x4e: {  	_ =	shalt  }
0x4f: {  	_ =	shalt  }
0x50: {  	_ =	shalt  }
0x51: {  	_ =	shalt  }
0x52: {  	_ =	shalt  }
0x53: {  	_ =	shalt  }
0x54: {  	_ =	shalt  }
0x55: {  	_ =	shalt  }
0x56: {  	_ =	shalt  }
0x57: {  	_ =	shalt  }
0x58: {  	_ =	shalt  }
0x59: {  	_ =	shalt  }
0x5a: {  	_ =	shalt  }
0x5b: {  	_ =	shalt  }
0x5c: {  	_ =	shalt  }
0x5d: {  	_ =	shalt  }
0x5e: {  	_ =	shalt  }
0x5f: {  	_ =	shalt  }
0x60: {  	_ =	shalt  }
0x61: {  	_ =	shalt  }
0x62: {  	_ =	shalt  }
0x63: {  	_ =	shalt  }
0x64: {  	_ =	shalt  }
0x65: {  	_ =	shalt  }
0x66: {  	_ =	shalt  }
0x67: {  	_ =	shalt  }
0x68: {  	_ =	shalt  }
0x69: {  	_ =	shalt  }
0x6a: {  	_ =	shalt  }
0x6b: {  	_ =	shalt  }
0x6c: {  	_ =	shalt  }
0x6d: {  	_ =	shalt  }
0x6e: {  	_ =	shalt  }
0x6f: {  	_ =	shalt  }
0x70: {  	_ =	shalt  }
0x71: {  	_ =	shalt  }
0x72: {  	_ =	shalt  }
0x73: {  	_ =	shalt  }
0x74: {  	_ =	shalt  }
0x75: {  	_ =	shalt  }
0x76: {  	_ =	shalt  }
0x77: {  	_ =	shalt  }
0x78: {  	_ =	shalt  }
0x79: {  	_ =	shalt  }
0x7a: {  	_ =	shalt  }
0x7b: {  	_ =	shalt  }
0x7c: {  	_ =	shalt  }
0x7d: {  	_ =	shalt  }
0x7e: {  	_ =	shalt  }
0x7f: {  	_ =	shalt  }
0x80: {  	_ =	shalt  }
0x81: {  	_ =	shalt  }
0x82: {  	_ =	shalt  }
0x83: {  	_ =	shalt  }
0x84: {  	_ =	shalt  }
0x85: {  	_ =	shalt  }
0x86: {  	_ =	shalt  }
0x87: {  	_ =	shalt  }
.Lfunc_end0:
.L_simem_size_0:
called_computation_lowered:
.L_overlay_start_0:
0x88: {  	s2 =	sld [smem:$0x3FD9]  }
0x89: {  	s3 =	sld [smem:$0x3FFE];
	_ =	sdelay $0x1  }
0x8a: {  	s1 =	srdreg.scid  }
0x8b: {  	s0 =	sand.u32 $0x1, s1  }
0x8c: {  	s17 =	sshll.u32 s0, $0xA;
	s2 =	sadd.s32 s3, s2  }
0x8d: {  	s2 =	sadd.s32 s2, s17  }
0x8e: {  	[smem:$0x3FC4] =	sst s2  }
0x8f: {  	_ = 	snop  }
0x90: {  	s2 =	sld [smem:$0x3FC8]  }
0x91: {  	s18 =	sld [smem:$0x3FD0];
	(tm) =	ssettm $0x1  }
0x92: {  	s4 =	sld [smem:$0x3FFB];
	_ =	sdelay $0x3  }
0x93: {  	_ =	strace s4  }
0x94: {  	s4 =	sld [smem:$0x3FFC];
	_ =	sdelay $0x3  }
0x95: {  	_ =	strace s4  }
0x96: {  	s4 =	sld [smem:$0x3FFD];
	_ =	sdelay $0x3  }
0x97: {  	_ =	strace s4  }
0x98: {  	_ =	strace $0x8FFFFFFF  }
0x99: {  	s19 =	sld [smem:$0x3FDB];
	_ =	sdelay $0x1  }
0x9a: {  	s5 =	simm.s32 $_scs_section_size  }
0x9b: {  	s6 =	simm.s32 $_size__tile_overlayer_lowered;
	s7 =	simm.s32 $_tile_overlayer_lowered  }
0x9c: {  	s22 =	simm.s32 $0x1BFF;
	s21 =	sshll.u32 s7, $0x1;
	s4 =	sadd.s32 s5, s19  }
0x9d: {  	s8 =	simm.s32 $0x0;
	s20 =	sshll.u32 s6, $0x1;
	s6 =	sadd.s32 s21, s4  }
0x9e: {  	[timem:s8], [sflag:s22] =	dma.local [hbm:s6], s20  }
0x9f: {  	_ =	swait.ge [sflag:s22], s20  }
0xa0: {  	s5 =	ssub.s32 $0x0, s20;
	[sflag:s22] =	ssyncset.done $0x0  }
0xa1: {  	[sflag:s22] =	ssyncadd.s32 s5;
	_ =	sdelay $0x1  }
0xa2: {  	s23 =	simm.s32 $0x1B8B  }
0xa3: {  	_ =	swait.ge [sflag:s23], $0x1  }
0xa4: {  	[sflag:s23] =	ssyncset.done $0x0  }
0xa5: {  	s25 =	simm.s32 $0x1B8E;
	s24 =	sld [smem:$0x3FFE];
	[sflag:s23] =	ssyncadd.s32 $0xFFFFFFFF  }
0xa6: {  	s26 =	simm.s32 $execute0_lowered;
	[smem:$0x3FD2] =	sst s25  }
0xa7: {  	s6 =	sshll.u32 s26, $0x1;
	_ =	strace $0x80000046;
	[dreg:$0x1] =	wrdreg $0xFFFFFFFF  }
0xa8: {  	s28 =	simm.s32 $_size_execute0_lowered;
	s4 =	sadd.s32 s4, s6;
	[dreg:$0x0] =	wrdreg $0x0  }
0xa9: {  	s6 =	sshll.u32 s28, $0x1;
	[dreg:$0x2] =	wrdreg s4  }
0xaa: {  	[dreg:$0x3] =	wrdreg s6  }
0xab: {  	[dreg:$0x4] =	wrdreg $0xC0  }
0xac: {  	_ =	task [dreg:s8], $0x5FFFF  }
0xad: {  	[dreg:$0x1] =	wrdreg $0xFFFFFFFF  }
0xae: {  	[dreg:$0x0] =	wrdreg $0x60  }
0xaf: {  	[dreg:$0x2] =	wrdreg s24  }
0xb0: {  	[dreg:$0x3] =	wrdreg s2  }
0xb1: {  	[dreg:$0x4] =	wrdreg s18  }
0xb2: {  	[dreg:$0x5] =	wrdreg $0x9  }
0xb3: {  	_ =	task.clear_ibuf [dreg:s8], $0x6FFFF;
	_ =	strace $0x90000046  }
0xb4: {  	s29 =	simm.s32 $0x9;
	_ =	strace $0x80000048  }
0xb5: {  	_ =	swait.ge [sflag:s29], $0x1  }
0xb6: {  	[sflag:s29] =	ssyncadd.s32 $0xFFFFFFFF  }
0xb7: {  	_ =	strace $0x90000048  }
0xb8: {  	_ =	sfence  }
0xb9: {  	s30 =	sld [smem:$0x0];
	_ =	sdelay $0x2  }
0xba: {  	s31 =	sshll.u32 s1, $0xD;
	s1 =	sshrl.u32 s1, $0x2  }
0xbb: {  	s3 =	sand.u32 $0x4000, s31;
	s1 =	sadd.s32 s1, s30  }
0xbc: {  	s0 =	sor.u32 s3, s0;
	s1 =	sshll.u32 s1, $0x11  }
0xbd: {  	s0 =	sor.u32 s1, s0  }
0xbe: {  	s0 =	sadd.s32 $0x8F2B, s0  }
0xbf: {  	[sflag:s0] =	ssyncadd.remote.s32 $0x1  }
0xc0: {  	_ =	sfence.sel $0xFFFF  }
0xc1: {  	[dreg:$0x0] =	wrdreg $0xFFFFFFFF;
	(pc) =	sbr.abs _section_cstart, $3  }
0xc2: {  	[dreg:$0x1] =	wrdreg $0xFFFFFFFF  }
0xc3: {  	_ =	task.clear_ibuf [dreg:s8], $0x2FFFF;
	_ =	strace $0x9FFFFFFF  }
0xc4: {  	(tm) =	ssettm $0x7FFFFFFF  }
0xc5: {  	_ =	shalt  }
tec
execute0_lowered:
.L_overlay_start_1:
0x0: {  	(tag) =	ssettag $0x1  }
0x1: {  	s1 =	srdreg.scid  }
0x2: {  	s0 =	stileid.u32;
	s3 =	sand.u32 $0x1, s1  }
0x3: {  	s19 =	sshll.u32 s0, $0x9;
	s2 =	sshll.u32 s3, $0x8  }
0x4: {  	s4 =	sor.u32 s2, s19  }
0x5: {  	s1 =	sor.u32 $0x10, s4  }
0x6: {  	s20 =	sor.u32 $0x20, s4;
	s21 =	sor.u32 $0x30, s4;
	s22 =	sor.u32 $0x40, s4  }
0x7: {  	v0 =	vlaneseq.u32;
	v1 =	vmov s4;
	s23 =	sor.u32 $0x50, s4;
	s24 =	sor.u32 $0x60, s4;
	s25 =	sor.u32 $0x70, s4  }
0x8: {  	v15 =	vmul.u32 $0x80, v0;
	s2 =	sor.u32 $0x80, s4;
	s8 =	sor.u32 $0x90, s4;
	s26 =	sor.u32 $0xA0, s4;
	v0 =	vshll.u32 v1, $0x7;
	v1 =	vmov s1  }
0x9: {  	s9 =	sor.u32 $0xB0, s4;
	s28 =	sor.u32 $0xC0, s4;
	s11 =	sshrl.u32 s4, $0x3;
	v2 =	vmov s20;
	v3 =	vmov s21;
	v4 =	vmov s22  }
0xa: {  	s30 =	sor.u32 $0xD0, s4;
	s31 =	sor.u32 $0xE0, s4;
	s4 =	sor.u32 $0xF0, s4;
	v8 =	vmov s25;
	v9 =	vmov s8;
	v10 =	vmov s26  }
0xb: {  	v11 =	vmov s9;
	v13 =	vmov s31;
	v16 =	vmov s4  }
0xc: {  	v0 =	vor.u32 v15, v0;
	v1 =	vshll.u32 v1, $0x7;
	v2 =	vshll.u32 v2, $0x7  }
0xd: {  	v3 =	vshll.u32 v3, $0x7;
	v9 =	vshll.u32 v9, $0x7;
	v17 =	vshll.u32 v13, $0x7  }
0xe: {  	s10 =	ssub.s32 $0x2, s3;
	v16 =	vshll.u32 v16, $0x7;
	v1 =	vor.u32 v15, v1;
	v2 =	vor.u32 v15, v2  }
0xf: {  	s29 =	sshrl.u32 s10, $0x1;
	v5 =	vor.u32 v15, v3;
	v3 =	vshll.u32 v4, $0x7;
	v4 =	vmov s23  }
0x10: {  	s8 =	ssub.s32 s10, s29;
	v12 =	vor.u32 v15, v9;
	v9 =	vshll.u32 v10, $0x7;
	v10 =	vshll.u32 v11, $0x7  }
0x11: {  	s5 =	rddreg [dreg:$0x0];
	s10 =	smax.u32 s8, $0x1;
	v7 =	vor.u32 v15, v3;
	v3 =	vshll.u32 v4, $0x7;
	v4 =	vmov s24  }
0x12: {  	s6 =	rddreg [dreg:$0x1];
	v11 =	vmov s30;
	p1 =	sne.s32 s10, $0x1;
	v6 =	vor.u32 v15, v3;
	v3 =	vshll.u32 v4, $0x7  }
.Ltmp0:
0x13: {  	s7 =	rddreg [dreg:$0x2];
	p0 =	por $0x0, $0x0;
	v4 =	vor.u32 v15, v3;
	v3 =	vshll.u32 v8, $0x7;
	v8 =	vmov s2;
	(pc) =	sbr.rel @!p1 .LBB2_3-.Ltmp0, $4  }
0x14: {  	s3 =	sadd.s32 $0x800, s5;
	s1 =	rddreg [dreg:$0x3];
	s9 =	sadd.s32 s6, s11;
	v9 =	vor.u32 v15, v9;
	v10 =	vor.u32 v15, v10;
	v8 =	vshll.u32 v8, $0x7  }
0x15: {  	s5 =	sadd.s32 s7, s11;
	s4 =	simm.s32 $0x2;
	v11 =	vshll.u32 v11, $0x7;
	s2 =	simm.s32 $0x0;
	v14 =	vor.u32 v15, v8;
	v8 =	vmov s28  }
0x16: {  	s7 =	simm.s32 $0x100;
	s6 =	simm.s32 $0x200;
	v13 =	vor.u32 v15, v11;
	v11 =	vor.u32 v15, v17;
	[smem:$0x7FF] =	sst s2;
	v8 =	vshll.u32 v8, $0x7  }
0x17: {  	s8 =	simm.s32 $0x1;
	s10 =	sadd.s32 $0xFFFFFFFF, s10;
	v3 =	vor.u32 v15, v3;
	_ =	strace $0x80000047;
	v8 =	vor.u32 v15, v8;
	v15 =	vor.u32 v15, v16  }
0x18: {  	[tilespmem:s2], [sflag:$0x2] =	stream.linear.gather [hbm4b:s9+s2], $0x100, $0x38;
	[tilespmem:$0x300] =	vst v63  }
0x19: {  	_ =	swait.ge [sflag:s4], $0x100  }
0x1a: {  	[sflag:s4] =	ssyncset.done $0x0  }
0x1b: {  	p1 =	sne.s32 s10, $0x1;
	[sflag:s4] =	ssyncadd.s32 $0xFFFFFF00  }
.Ltmp1:
0x1c: {  	v18 =	vld [tilespmem:$0x30];
	(pc) =	sbr.rel @!p1 .LBB2_3-.Ltmp1, $4  }
0x1d: {  	v20 =	vld [tilespmem:$0xF0]  }
0x1e: {  	v19 =	vld [tilespmem:$0x40]  }
0x1f: {  	v16 =	vld [tilespmem:$0xA0]  }
0x20: {  	s10 =	sadd.s32 $0xFFFFFFFF, s10;
	p0 =	por $0x1, $0x1;
	v17 =	vld [tilespmem:$0x80]  }
.LBB2_2:
0x21: {  	p1 =	sne.s32 s10, $0x1;
	s10 =	sadd.s32 $0xFFFFFFFF, s10;
	v21 =	vld [tilespmem:$0x90]  }
0x22: {  	v18 =	vadd.s32 v5, v18;
	v22 =	vld [tilespmem:$0x50];
	v20 =	vadd.s32 v15, v20  }
0x23: {  	v23 =	vld [tilespmem:$0x20];
	v19 =	vadd.s32 v7, v19;
	[tilespmem:$0x1F0] =	vst v20  }
0x24: {  	[tilespmem:$0x140] =	vst v19;
	v19 =	vld [tilespmem:$0x60];
	v16 =	vadd.s32 v9, v16  }
0x25: {  	v20 =	vld [tilespmem:$0x10];
	[tilespmem:$0x130] =	vst v18;
	v17 =	vadd.s32 v14, v17  }
0x26: {  	[tilespmem:$0x180] =	vst v17;
	v17 =	vadd.s32 v12, v21;
	v18 =	vld [tilespmem:$0xB0]  }
0x27: {  	v21 =	vadd.s32 v6, v22;
	v22 =	vld [tilespmem:$0x70];
	[tilespmem:$0x190] =	vst v17  }
0x28: {  	v17 =	vld [tilespmem:$0x0];
	v23 =	vadd.s32 v2, v23;
	[tilespmem:$0x150] =	vst v21  }
0x29: {  	[tilespmem:$0x120] =	vst v23;
	v19 =	vadd.s32 v4, v19;
	v21 =	vld [tilespmem:$0xC0]  }
0x2a: {  	v20 =	vadd.s32 v1, v20;
	[tilespmem:$0x160] =	vst v19;
	v19 =	vld [tilespmem:$0xD0]  }
0x2b: {  	[tilespmem:$0x110] =	vst v20;
	v18 =	vadd.s32 v10, v18;
	v20 =	vld [tilespmem:$0xE0]  }
0x2c: {  	v22 =	vadd.s32 v3, v22;
	[tilespmem:$0x1B0] =	vst v18  }
0x2d: {  	v17 =	vadd.s32 v0, v17;
	[tilespmem:$0x170] =	vst v22  }
0x2e: {  	[tilespmem:$0x1A0] =	vst v16;
	v16 =	vadd.s32 v8, v21  }
0x2f: {  	[tilespmem:$0x1C0] =	vst v16;
	v16 =	vadd.s32 v13, v19  }
0x30: {  	[tilespmem:$0x100] =	vst v17;
	v17 =	vadd.s32 v11, v20  }
0x31: {  	[tilespmem:$0x1D0] =	vst v16  }
0x32: {  	[tilespmem:$0x1E0] =	vst v17  }
0x33: {  	[tilespmem:s6], [sflag:$0x1] =	stream.indirect.gather [hbm4b:s3+s7], $0x1, s7, s7, $0xb8;
	[tilespmem:$0x300] =	vst v63  }
0x34: {  	_ =	swait.ge [sflag:s8], $0x100  }
0x35: {  	[sflag:s8] =	ssyncset.done $0x0  }
0x36: {  	[sflag:s8] =	ssyncadd.s32 $0xFFFFFF00  }
0x37: {  	[hbm4b:s5+s2] =	stream.linear.scatter [tilespmem:s6], [sflag:$0x2], $0x100, $0x38;
	[tilespmem:$0x300] =	vst v63  }
0x38: {  	_ =	swait.ge [sflag:s4], $0x100  }
0x39: {  	[sflag:s4] =	ssyncset.done $0x0  }
0x3a: {  	[sflag:s4] =	ssyncadd.s32 $0xFFFFFF00  }
0x3b: {  	[tilespmem:s2], [sflag:$0x2] =	stream.linear.gather [hbm4b:s9+s2], $0x100, $0x38;
	[tilespmem:$0x300] =	vst v63  }
0x3c: {  	_ =	swait.ge [sflag:s4], $0x100  }
0x3d: {  	[sflag:s4] =	ssyncset.done $0x0  }
0x3e: {  	[sflag:s4] =	ssyncadd.s32 $0xFFFFFF00  }
.Ltmp2:
0x3f: {  	v18 =	vld [tilespmem:$0x30];
	(pc) =	sbr.rel @p1 .LBB2_2-.Ltmp2, $4  }
0x40: {  	v20 =	vld [tilespmem:$0xF0]  }
0x41: {  	v19 =	vld [tilespmem:$0x40]  }
0x42: {  	v16 =	vld [tilespmem:$0xA0]  }
0x43: {  	v17 =	vld [tilespmem:$0x80]  }
.LBB2_3:
0x44: {  	v21 =	vld @p0 [tilespmem:$0x90];
	v18 =	vadd.s32 @p0 v5, v18  }
0x45: {  	v22 =	vld @p0 [tilespmem:$0x50];
	v20 =	vadd.s32 @p0 v15, v20;
	[tilespmem:$0x130] =	vst @p0 v18  }
0x46: {  	v23 =	vld @p0 [tilespmem:$0x20];
	v19 =	vadd.s32 @p0 v7, v19;
	[tilespmem:$0x1F0] =	vst @p0 v20  }
0x47: {  	[tilespmem:$0x140] =	vst @p0 v19;
	v19 =	vld @p0 [tilespmem:$0x60];
	v16 =	vadd.s32 @p0 v9, v16  }
0x48: {  	v20 =	vld @p0 [tilespmem:$0x10];
	v17 =	vadd.s32 @p0 v14, v17;
	[tilespmem:$0x1A0] =	vst @p0 v16  }
0x49: {  	v18 =	vld @p0 [tilespmem:$0xB0];
	[tilespmem:$0x180] =	vst @p0 v17;
	v17 =	vadd.s32 @p0 v12, v21  }
0x4a: {  	v21 =	vadd.s32 @p0 v6, v22;
	v22 =	vld @p0 [tilespmem:$0x70];
	[tilespmem:$0x190] =	vst @p0 v17  }
0x4b: {  	v17 =	vadd.s32 @p0 v2, v23;
	[tilespmem:$0x150] =	vst @p0 v21;
	v21 =	vld @p0 [tilespmem:$0x0]  }
0x4c: {  	[tilespmem:$0x120] =	vst @p0 v17;
	v17 =	vadd.s32 @p0 v4, v19;
	v19 =	vld @p0 [tilespmem:$0xC0]  }
0x4d: {  	v20 =	vadd.s32 @p0 v1, v20;
	[tilespmem:$0x160] =	vst @p0 v17;
	v17 =	vld @p0 [tilespmem:$0xD0]  }
0x4e: {  	v18 =	vadd.s32 @p0 v10, v18;
	[tilespmem:$0x110] =	vst @p0 v20;
	v20 =	vld @p0 [tilespmem:$0xE0]  }
0x4f: {  	[tilespmem:$0x1B0] =	vst @p0 v18;
	v22 =	vadd.s32 @p0 v3, v22  }
0x50: {  	[tilespmem:$0x170] =	vst @p0 v22;
	v18 =	vadd.s32 @p0 v0, v21  }
0x51: {  	[tilespmem:$0x100] =	vst @p0 v18;
	v16 =	vadd.s32 @p0 v8, v19  }
0x52: {  	[tilespmem:$0x1C0] =	vst @p0 v16;
	v16 =	vadd.s32 @p0 v13, v17  }
0x53: {  	v17 =	vadd.s32 @p0 v11, v20;
	[tilespmem:$0x1D0] =	vst @p0 v16  }
0x54: {  	[tilespmem:$0x1E0] =	vst @p0 v17  }
0x55: {  	[tilespmem:s6], [sflag:$0x1] =	stream.indirect.gather @p0 [hbm4b:s3+s7], $0x1, s7, s7, $0xb8;
	[tilespmem:$0x300] =	vst v63  }
0x56: {  	_ =	swait.ge @p0 [sflag:s8], $0x100  }
0x57: {  	[sflag:s8] =	ssyncset.done @p0 $0x0  }
0x58: {  	[sflag:s8] =	ssyncadd.s32 @p0 $0xFFFFFF00  }
0x59: {  	[hbm4b:s5+s2] =	stream.linear.scatter @p0 [tilespmem:s6], [sflag:$0x2], $0x100, $0x38;
	[tilespmem:$0x300] =	vst v63  }
0x5a: {  	_ =	swait.ge @p0 [sflag:s4], $0x100  }
0x5b: {  	[sflag:s4] =	ssyncset.done @p0 $0x0  }
0x5c: {  	[sflag:s4] =	ssyncadd.s32 @p0 $0xFFFFFF00  }
0x5d: {  	[tilespmem:s2], [sflag:$0x2] =	stream.linear.gather [hbm4b:s9+s2], $0x100, $0x38;
	[tilespmem:$0x300] =	vst v63  }
0x5e: {  	_ =	swait.ge [sflag:s4], $0x100  }
0x5f: {  	[sflag:s4] =	ssyncset.done $0x0  }
0x60: {  	[sflag:s4] =	ssyncadd.s32 $0xFFFFFF00  }
0x61: {  	v32 =	vld [tilespmem:$0xF0]  }
0x62: {  	v33 =	vld [tilespmem:$0x40]  }
0x63: {  	v34 =	vld [tilespmem:$0x30]  }
0x64: {  	v35 =	vld [tilespmem:$0x80]  }
0x65: {  	v36 =	vld [tilespmem:$0x90]  }
0x66: {  	v37 =	vld [tilespmem:$0x50];
	v38 =	vadd.s32 v15, v32  }
0x67: {  	v39 =	vld [tilespmem:$0x20];
	v40 =	vadd.s32 v7, v33;
	[tilespmem:$0x1F0] =	vst v38  }
0x68: {  	v42 =	vld [tilespmem:$0x60];
	v41 =	vadd.s32 v5, v34;
	[tilespmem:$0x140] =	vst v40  }
0x69: {  	v43 =	vld [tilespmem:$0x10];
	v44 =	vadd.s32 v14, v35;
	[tilespmem:$0x130] =	vst v41  }
0x6a: {  	v46 =	vld [tilespmem:$0xB0];
	v45 =	vadd.s32 v12, v36;
	[tilespmem:$0x180] =	vst v44  }
0x6b: {  	v48 =	vld [tilespmem:$0x70];
	v47 =	vadd.s32 v6, v37;
	[tilespmem:$0x190] =	vst v45  }
0x6c: {  	v49 =	vld [tilespmem:$0xA0];
	v50 =	vadd.s32 v2, v39;
	[tilespmem:$0x150] =	vst v47  }
0x6d: {  	v52 =	vld [tilespmem:$0xC0];
	v51 =	vadd.s32 v4, v42;
	[tilespmem:$0x120] =	vst v50  }
0x6e: {  	v53 =	vld [tilespmem:$0x0];
	v54 =	vadd.s32 v1, v43;
	[tilespmem:$0x160] =	vst v51  }
0x6f: {  	v55 =	vld [tilespmem:$0xD0];
	v56 =	vadd.s32 v10, v46;
	[tilespmem:$0x110] =	vst v54  }
0x70: {  	v57 =	vld [tilespmem:$0xE0];
	v58 =	vadd.s32 v3, v48;
	[tilespmem:$0x1B0] =	vst v56  }
0x71: {  	v59 =	vadd.s32 v9, v49;
	[tilespmem:$0x170] =	vst v58  }
0x72: {  	v60 =	vadd.s32 v8, v52;
	[tilespmem:$0x1A0] =	vst v59  }
0x73: {  	v61 =	vadd.s32 v0, v53;
	[tilespmem:$0x1C0] =	vst v60  }
0x74: {  	v62 =	vadd.s32 v13, v55;
	[tilespmem:$0x100] =	vst v61  }
0x75: {  	v63 =	vadd.s32 v11, v57;
	[tilespmem:$0x1D0] =	vst v62  }
0x76: {  	[tilespmem:$0x1E0] =	vst v63  }
0x77: {  	[tilespmem:s6], [sflag:$0x1] =	stream.indirect.gather [hbm4b:s3+s7], $0x1, s7, s7, $0xb8;
	[tilespmem:$0x300] =	vst v63  }
0x78: {  	_ =	swait.ge [sflag:s8], $0x100  }
0x79: {  	[sflag:s8] =	ssyncset.done $0x0  }
0x7a: {  	[sflag:s8] =	ssyncadd.s32 $0xFFFFFF00  }
0x7b: {  	[hbm4b:s5+s2] =	stream.linear.scatter [tilespmem:s6], [sflag:$0x2], $0x100, $0x38;
	[tilespmem:$0x300] =	vst v63  }
0x7c: {  	_ =	swait.ge [sflag:s4], $0x100  }
0x7d: {  	[sflag:s4] =	ssyncset.done $0x0  }
0x7e: {  	[sflag:s4] =	ssyncadd.s32 $0xFFFFFF00  }
0x7f: {  	_ =	sfence.sel $0x180000  }
0x80: {  	[bflag:$0x0] =	sbarrier.arrive $0xFFFF  }
0x81: {  	p0 =	sne.s32 s0, $0x0;
	_ =	strace $0x90000047  }
0x82: {  	s0 =	sadd.s32 @!p0 $0x100000, s1;
	[bflag:$0x2] =	sbarrier.arrive $0xFFFF  }
0x83: {  	[sflag:s0] =	ssyncadd.tile.s32 @!p0 $0x1;
	_ =	shalt  }
.Lfunc_end2:
_tile_overlayer_lowered:
.L_overlay_start_2:
0x84: {  	(tag) =	ssettag $0x2  }
0x85: {  	s0 =	rddreg [dreg:$0x0];
	s2 =	stileid.u32  }
0x86: {  	s1 =	rddreg [dreg:$0x1];
	p0 =	sne.s32 s2, $0x0  }
0x87: {  	s3 =	rddreg [dreg:$0x2];
	[bflag:$0x3] =	sbarrier.arrive $0xFFFF;
	s2 =	simm.s32 @!p0 $0x1C02  }
0x88: {  	[timem:s3], [sflag:s2] =	dma.local @!p0 [hbm:s0], s1  }
0x89: {  	s0 =	simm.s32 @!p0 $0x2  }
0x8a: {  	_ =	swait.ge @!p0 [sflag:s0], s1  }
0x8b: {  	s1 =	ssub.s32 @!p0 $0x0, s1;
	[sflag:s0] =	ssyncset.done @!p0 $0x0  }
0x8c: {  	[sflag:s0] =	ssyncadd.s32 @!p0 s1  }
0x8d: {  	[bflag:$0x3] =	sbarrier.arrive $0xFFFF  }
0x8e: {  	_ =	shalt  }

</sc_bundles>
